<compile_context>
chip_gen: v7x
topology: tpu7x:2x2x1
jax: 0.10.2.dev20260603
libtpu: 0.0.44.dev20260713+nightly
codegen_flags: <defaults>
</compile_context>

<pallas_src>
import functools

import jax
import jax.numpy as jnp
from jax.experimental import pallas as pl
from jax.experimental.pallas import tpu as pltpu
from jax.experimental.pallas import tpu_sc as plsc

BG, MD, KL, EL, DL, RL = 5, 4, 3, 3, 3, 4
DK, DE, DD, DR = BG * MD * KL, BG * MD * EL, BG * DL, RL

_mesh = plsc.ScalarSubcoreMesh(axis_name="c", num_cores=1)


@functools.partial(
    pl.kernel,
    out_type=(
        jax.ShapeDtypeStruct((1, DK), jnp.float32),
        jax.ShapeDtypeStruct((1, DE), jnp.float32),
        jax.ShapeDtypeStruct((1, DD), jnp.float32),
        jax.ShapeDtypeStruct((1, DR), jnp.float32),
    ),
    mesh=_mesh,
    compiler_params=pltpu.CompilerParams(needs_layout_passes=False),
    scratch_types=[
        pltpu.SMEM((1,), jnp.float32),
        pltpu.SemaphoreType.DMA,
    ],
)
def _lookup(x_hbm, wk_hbm, we_hbm, wd_hbm, wr_hbm,
            ok_hbm, oe_hbm, od_hbm, or_hbm,
            x_s, sem):
    pltpu.sync_copy(x_hbm, x_s)
    v100 = x_s[0] * 100.0
    idx0 = v100.astype(jnp.int32)
    idx = idx0 - (idx0.astype(jnp.float32) > v100).astype(jnp.int32)
    cps = [
        pltpu.async_copy(wk_hbm.at[pl.ds(idx, 1)], ok_hbm, sem),
        pltpu.async_copy(we_hbm.at[pl.ds(idx, 1)], oe_hbm, sem),
        pltpu.async_copy(wd_hbm.at[pl.ds(idx, 1)], od_hbm, sem),
        pltpu.async_copy(wr_hbm.at[pl.ds(idx, 1)], or_hbm, sem),
    ]
    for cp in cps:
        cp.wait()


def kernel(x, W_kernel, W_expand, W_depth, W_res):
    ok, oe, od, orr = _lookup(x.reshape(1), W_kernel, W_expand, W_depth, W_res)
    return (
        ok.reshape(BG, MD, KL),
        oe.reshape(BG, MD, EL),
        od.reshape(BG, DL),
        orr,
    )

# --- scband reference (transcript-rebuilt; emitter-appended) ---
"""Pipeline reference for scband-hyper-network-20830591385786 (READ-ONLY COPY).

The authoritative reference and input builder live on the scoring server;
editing this copy changes nothing except your own understanding.
"""

import jax, jax.numpy as jnp
import numpy as np

BG, MD, KL, EL, DL, RL = 5, 4, 3, 3, 3, 4


def setup_inputs(seed: int = 0) -> dict:
    key = jax.random.key(seed)
    k1, k2, k3, k4, k5 = jax.random.split(key, 5)
    x = jax.random.uniform(k1, (1, 1), dtype=jnp.float32)
    W_kernel = jax.random.normal(k2, (101, BG * MD * KL), dtype=jnp.float32)
    W_expand = jax.random.normal(k3, (101, BG * MD * EL), dtype=jnp.float32)
    W_depth = jax.random.normal(k4, (101, BG * DL), dtype=jnp.float32)
    W_res = jax.random.normal(k5, (101, RL), dtype=jnp.float32)
    return {"x": x, "W_kernel": W_kernel, "W_expand": W_expand, "W_depth": W_depth, "W_res": W_res}


def reference(x, W_kernel, W_expand, W_depth, W_res):
    # id = int(x[0][0] * 100); lookup row `id` in each embedding table
    idx = (x[0, 0] * 100).astype(jnp.int32)
    idx1 = idx[None]  # shape [1], mirrors torch.tensor([id])
    kernel = jnp.take(W_kernel, idx1, axis=0)        # [1, BG*MD*KL]
    expand_ratio = jnp.take(W_expand, idx1, axis=0)  # [1, BG*MD*EL]
    depth = jnp.take(W_depth, idx1, axis=0)          # [1, BG*DL]
    resolution = jnp.take(W_res, idx1, axis=0)       # [1, RL]
    return (
        kernel.reshape(BG, MD, KL),
        expand_ratio.reshape(BG, MD, EL),
        depth.reshape(BG, DL),
        resolution,
    )

if __name__ == "__main__":
    import jax
    _d = setup_inputs()
    print(jax.jit(kernel)(*tuple(_d.values())))

</pallas_src>

<mosaic_0001>
#map = affine_map<(d0) -> (0)>
#map1 = affine_map<(d0) -> (0, 0)>
module attributes {stable_mosaic.version = 14 : i64} {
  func.func @_lookup(%arg0: i32, %arg1: memref<1xf32, #tpu.memory_space<hbm>>, %arg2: memref<101x60xf32, #tpu.memory_space<hbm>>, %arg3: memref<101x60xf32, #tpu.memory_space<hbm>>, %arg4: memref<101x15xf32, #tpu.memory_space<hbm>>, %arg5: memref<101x4xf32, #tpu.memory_space<hbm>>, %arg6: memref<1x60xf32, #tpu.memory_space<hbm>>, %arg7: memref<1x60xf32, #tpu.memory_space<hbm>>, %arg8: memref<1x15xf32, #tpu.memory_space<hbm>>, %arg9: memref<1x4xf32, #tpu.memory_space<hbm>>, %arg10: memref<1xf32, #tpu.memory_space<smem>>, %arg11: memref<!tpu.dma_semaphore, #tpu.memory_space<semaphore_mem>>) attributes {dimension_semantics = [#tpu.dimension_semantics<core_parallel>], iteration_bounds = array<i64: 1>, scalar_prefetch = 0 : i64, scratch_operands = 2 : i64, tpu.core_type = #tpu.core_type<sc_scalar_subcore>, window_params = [{transform_indices = #map}, {transform_indices = #map1}, {transform_indices = #map1}, {transform_indices = #map1}, {transform_indices = #map1}, {transform_indices = #map1}, {transform_indices = #map1}, {transform_indices = #map1}, {transform_indices = #map1}]} {
    "tpu.region"() ({
      %run_scoped3A = tpu.sem_alloc : memref<!tpu.dma_semaphore, #tpu.memory_space<semaphore_mem>>
      tpu.enqueue_dma source(%arg1 : memref<1xf32, #tpu.memory_space<hbm>>) target(%arg10 : memref<1xf32, #tpu.memory_space<smem>>) target_semaphore(%run_scoped3A : memref<!tpu.dma_semaphore, #tpu.memory_space<semaphore_mem>>)
      tpu.wait_dma2 semaphore(%run_scoped3A : memref<!tpu.dma_semaphore, #tpu.memory_space<semaphore_mem>>) src(%arg1 : memref<1xf32, #tpu.memory_space<hbm>>) dst(%arg10 : memref<1xf32, #tpu.memory_space<smem>>)
      tpu.yield
    }) : () -> ()
    %get3A = arith.constant 0 : i32
    %get3A_0 = arith.index_cast %get3A : i32 to index
    %get3A_1 = memref.load %arg10[%get3A_0] : memref<1xf32, #tpu.memory_space<smem>>
    %mul3A = arith.constant 1.000000e+02 : f32
    %mul3A_2 = arith.mulf %get3A_1, %mul3A : f32
    %convert_element_type3A = arith.fptosi %mul3A_2 : f32 to i32
    %convert_element_type3A_3 = arith.sitofp %convert_element_type3A : i32 to f32
    %gt3A = arith.cmpf ogt, %convert_element_type3A_3, %mul3A_2 : f32
    %convert_element_type3A_4 = arith.extui %gt3A : i1 to i32
    %sub3A = arith.subi %convert_element_type3A, %convert_element_type3A_4 : i32
    %dma_start3A = arith.constant 0 : i32
    %dma_start3A_5 = tpu.memref_slice %arg2[%sub3A, %dma_start3A] : memref<101x60xf32, #tpu.memory_space<hbm>> -> memref<1x60xf32, #tpu.memory_space<hbm>>
    tpu.enqueue_dma source(%dma_start3A_5 : memref<1x60xf32, #tpu.memory_space<hbm>>) target(%arg6 : memref<1x60xf32, #tpu.memory_space<hbm>>) target_semaphore(%arg11 : memref<!tpu.dma_semaphore, #tpu.memory_space<semaphore_mem>>)
    %dma_start3A_6 = arith.constant 0 : i32
    %dma_start3A_7 = tpu.memref_slice %arg3[%sub3A, %dma_start3A_6] : memref<101x60xf32, #tpu.memory_space<hbm>> -> memref<1x60xf32, #tpu.memory_space<hbm>>
    tpu.enqueue_dma source(%dma_start3A_7 : memref<1x60xf32, #tpu.memory_space<hbm>>) target(%arg7 : memref<1x60xf32, #tpu.memory_space<hbm>>) target_semaphore(%arg11 : memref<!tpu.dma_semaphore, #tpu.memory_space<semaphore_mem>>)
    %dma_start3A_8 = arith.constant 0 : i32
    %dma_start3A_9 = tpu.memref_slice %arg4[%sub3A, %dma_start3A_8] : memref<101x15xf32, #tpu.memory_space<hbm>> -> memref<1x15xf32, #tpu.memory_space<hbm>>
    tpu.enqueue_dma source(%dma_start3A_9 : memref<1x15xf32, #tpu.memory_space<hbm>>) target(%arg8 : memref<1x15xf32, #tpu.memory_space<hbm>>) target_semaphore(%arg11 : memref<!tpu.dma_semaphore, #tpu.memory_space<semaphore_mem>>)
    %dma_start3A_10 = arith.constant 0 : i32
    %dma_start3A_11 = tpu.memref_slice %arg5[%sub3A, %dma_start3A_10] : memref<101x4xf32, #tpu.memory_space<hbm>> -> memref<1x4xf32, #tpu.memory_space<hbm>>
    tpu.enqueue_dma source(%dma_start3A_11 : memref<1x4xf32, #tpu.memory_space<hbm>>) target(%arg9 : memref<1x4xf32, #tpu.memory_space<hbm>>) target_semaphore(%arg11 : memref<!tpu.dma_semaphore, #tpu.memory_space<semaphore_mem>>)
    %dma_wait3A = arith.constant 0 : i32
    %dma_wait3A_12 = tpu.memref_slice %arg2[%sub3A, %dma_wait3A] : memref<101x60xf32, #tpu.memory_space<hbm>> -> memref<1x60xf32, #tpu.memory_space<hbm>>
    tpu.wait_dma2 semaphore(%arg11 : memref<!tpu.dma_semaphore, #tpu.memory_space<semaphore_mem>>) src(%dma_wait3A_12 : memref<1x60xf32, #tpu.memory_space<hbm>>) dst(%arg6 : memref<1x60xf32, #tpu.memory_space<hbm>>)
    %dma_wait3A_13 = arith.constant 0 : i32
    %dma_wait3A_14 = tpu.memref_slice %arg3[%sub3A, %dma_wait3A_13] : memref<101x60xf32, #tpu.memory_space<hbm>> -> memref<1x60xf32, #tpu.memory_space<hbm>>
    tpu.wait_dma2 semaphore(%arg11 : memref<!tpu.dma_semaphore, #tpu.memory_space<semaphore_mem>>) src(%dma_wait3A_14 : memref<1x60xf32, #tpu.memory_space<hbm>>) dst(%arg7 : memref<1x60xf32, #tpu.memory_space<hbm>>)
    %dma_wait3A_15 = arith.constant 0 : i32
    %dma_wait3A_16 = tpu.memref_slice %arg4[%sub3A, %dma_wait3A_15] : memref<101x15xf32, #tpu.memory_space<hbm>> -> memref<1x15xf32, #tpu.memory_space<hbm>>
    tpu.wait_dma2 semaphore(%arg11 : memref<!tpu.dma_semaphore, #tpu.memory_space<semaphore_mem>>) src(%dma_wait3A_16 : memref<1x15xf32, #tpu.memory_space<hbm>>) dst(%arg8 : memref<1x15xf32, #tpu.memory_space<hbm>>)
    %dma_wait3A_17 = arith.constant 0 : i32
    %dma_wait3A_18 = tpu.memref_slice %arg5[%sub3A, %dma_wait3A_17] : memref<101x4xf32, #tpu.memory_space<hbm>> -> memref<1x4xf32, #tpu.memory_space<hbm>>
    tpu.wait_dma2 semaphore(%arg11 : memref<!tpu.dma_semaphore, #tpu.memory_space<semaphore_mem>>) src(%dma_wait3A_18 : memref<1x4xf32, #tpu.memory_space<hbm>>) dst(%arg9 : memref<1x4xf32, #tpu.memory_space<hbm>>)
    return
  }
}

</mosaic_0001>

<sc_bundles>
// kernel: kernel.3.cloned.1.call-start
scs
__scs_entry_jumppad:
0x0: {  	(pc) =	sbr.rel $0x88, $3  }
0x1: {  	(tag) =	ssettag $0x0;
	lr =	simm.s32 $0x1  }
0x2: {  	[smem:$0x3F9C] =	sst lr;
	_ =	strace $0xD0000000  }
0x3: {  	_ = 	snop  }
0x4: {  	_ = 	snop  }
0x5: {  	_ = 	snop  }
0x6: {  	_ = 	snop  }
0x7: {  	_ = 	snop  }
__scs_overlays_trampoline_lowered:
0x8: {  	[smem:$0x3FAB] =	sst s0  }
0x9: {  	[smem:$0x3FAC] =	sst s1  }
0xa: {  	[smem:$0x3FAD] =	sst s2  }
0xb: {  	[smem:$0x3FAE] =	sst s3  }
0xc: {  	[smem:$0x3FAF] =	sst s4  }
0xd: {  	[smem:$0x3FB0] =	sst s5  }
0xe: {  	[smem:$0x3FB1] =	sst s6  }
0xf: {  	[smem:$0x3FB2] =	sst s7  }
0x10: {  	[smem:$0x3FB3] =	sst s8  }
0x11: {  	[smem:$0x3FB4] =	sst s9;
	s0 =	simm.s32 @!p0 $0x0  }
0x12: {  	s1 =	sld [smem:$0x3F9A];
	s0 =	simm.s32 @p0 $0x1  }
0x13: {  	[smem:$0x3FB5] =	sst s0;
	s0 =	simm.s32 @!p1 $0x0  }
0x14: {  	s2 =	sld [smem:$0x3F99];
	s0 =	simm.s32 @p1 $0x1  }
0x15: {  	[smem:$0x3FB6] =	sst s0;
	s0 =	simm.s32 @!p2 $0x0  }
0x16: {  	s3 =	sld [smem:$0x3FDB];
	s0 =	simm.s32 @p2 $0x1  }
0x17: {  	s4 =	simm.s32 $0x1BF5;
	[smem:$0x3FB8] =	sst s0  }
0x18: {  	s0 =	sld [smem:$0x3F9B];
	_ =	swait.ge [sflag:s4], $0x0  }
0x19: {  	s7 =	sld [smem:$0x3F9C]  }
0x1a: {  	s8 =	sadd.s32 $0xFFFFE003, lr  }
0x1b: {  	s9 =	sadd.s32 $0xFFFFFEF7, lr;
	s5 =	simm.s32 $0xFFFFFFFF;
	p2 =	slt.u32 s8, $0xFFFFF086  }
0x1c: {  	p1 =	slt.u32 s9, $0xF7A;
	s5 =	simm.s32 @!p2 $0x0  }
0x1d: {  	s5 =	simm.s32 @p1 $0x1;
	p0 =	seq.s32 s7, s2  }
0x1e: {  	s7 =	smul.u32 @!p0 $0xF7A, s2;
	p2 =	seq.s32 @!p0 s5, $0x0  }
0x1f: {  	s9 =	smul.u32 $0xF7A, s1;
	s8 =	simm.s32 @!p0 $0x1BF5;
	p2 =	por !p2, p0  }
0x20: {  	[sflag:s8] =	ssyncset.s32 @!p0 $0xFFFFF086;
	s6 =	sadd.s32 @!p0 s3, s7;
	s7 =	simm.s32 @!p0 $0x108  }
0x21: {  	s3 =	sadd.s32 s3, s9;
	s6 =	sadd.s32 @!p0 $0x88, s6;
	s7 =	simm.s32 @p2 $0x1082  }
0x22: {  	[simem:s7], [sflag:s8] =	dma.local @!p0 [hbm:s6], $0xF7A  }
0x23: {  	s9 =	sor.u32 $0xD0000000, s2;
	s6 =	simm.s32 $0x108;
	_ =	swait.ge @!p0 [sflag:s8], $0x0  }
0x24: {  	s3 =	sadd.s32 $0x88, s3;
	s6 =	simm.s32 @!p1 $0x1082;
	[sflag:s4] =	ssyncset.s32 $0xFFFFF086  }
0x25: {  	[simem:s6], [sflag:s4] =	dma.local [hbm:s3], $0xF7A  }
0x26: {  	[smem:$0x3F9C] =	sst s1;
	(tag) =	ssettag s2;
	_ =	strace s9  }
0x27: {  	s1 =	sld [smem:$0x3FAC]  }
0x28: {  	s2 =	sld [smem:$0x3FAD]  }
0x29: {  	s4 =	sld [smem:$0x3FAF]  }
0x2a: {  	p0 =	seq.s32 s5, $0x0;
	s5 =	sld [smem:$0x3FB0]  }
0x2b: {  	s6 =	sld [smem:$0x3FB1]  }
0x2c: {  	s7 =	sld [smem:$0x3FB2]  }
0x2d: {  	s3 =	simm.s32 $0x108;
	s8 =	sld [smem:$0x3FB3]  }
0x2e: {  	s3 =	simm.s32 @!p0 $0x1082;
	s9 =	sld [smem:$0x3FB4]  }
0x2f: {  	lr =	sadd.s32 s0, s3;
	s0 =	sld [smem:$0x3FAB]  }
0x30: {  	s3 =	sld [smem:$0x3FAE]  }
0x31: {  	[smem:$0x3FB7] =	sst s10  }
0x32: {  	s10 =	sld [smem:$0x3FB5];
	_ =	sdelay $0x3  }
0x33: {  	p0 =	seq.s32 s10, $0x1;
	s10 =	sld [smem:$0x3FB7];
	_ =	sdelay $0x3  }
0x34: {  	[smem:$0x3FB7] =	sst s10  }
0x35: {  	s10 =	sld [smem:$0x3FB6];
	_ =	sdelay $0x3  }
0x36: {  	p1 =	seq.s32 s10, $0x1;
	s10 =	sld [smem:$0x3FB7];
	_ =	sdelay $0x3  }
0x37: {  	[smem:$0x3FB7] =	sst s10  }
0x38: {  	s10 =	sld [smem:$0x3FB8]  }
0x39: {  	_ = 	snop;
	(pc) =	sbr.ind lr, $3  }
0x3a: {  	_ = 	snop  }
0x3b: {  	_ = 	snop  }
0x3c: {  	p2 =	seq.s32 s10, $0x1;
	s10 =	sld [smem:$0x3FB7]  }
0x3d: {  	_ =	shalt  }
0x3e: {  	_ =	shalt  }
0x3f: {  	_ =	shalt  }
0x40: {  	_ =	shalt  }
0x41: {  	_ =	shalt  }
0x42: {  	_ =	shalt  }
0x43: {  	_ =	shalt  }
0x44: {  	_ =	shalt  }
0x45: {  	_ =	shalt  }
0x46: {  	_ =	shalt  }
0x47: {  	_ =	shalt  }
0x48: {  	_ =	shalt  }
0x49: {  	_ =	shalt  }
0x4a: {  	_ =	shalt  }
0x4b: {  	_ =	shalt  }
0x4c: {  	_ =	shalt  }
0x4d: {  	_ =	shalt  }
0x4e: {  	_ =	shalt  }
0x4f: {  	_ =	shalt  }
0x50: {  	_ =	shalt  }
0x51: {  	_ =	shalt  }
0x52: {  	_ =	shalt  }
0x53: {  	_ =	shalt  }
0x54: {  	_ =	shalt  }
0x55: {  	_ =	shalt  }
0x56: {  	_ =	shalt  }
0x57: {  	_ =	shalt  }
0x58: {  	_ =	shalt  }
0x59: {  	_ =	shalt  }
0x5a: {  	_ =	shalt  }
0x5b: {  	_ =	shalt  }
0x5c: {  	_ =	shalt  }
0x5d: {  	_ =	shalt  }
0x5e: {  	_ =	shalt  }
0x5f: {  	_ =	shalt  }
0x60: {  	_ =	shalt  }
0x61: {  	_ =	shalt  }
0x62: {  	_ =	shalt  }
0x63: {  	_ =	shalt  }
0x64: {  	_ =	shalt  }
0x65: {  	_ =	shalt  }
0x66: {  	_ =	shalt  }
0x67: {  	_ =	shalt  }
0x68: {  	_ =	shalt  }
0x69: {  	_ =	shalt  }
0x6a: {  	_ =	shalt  }
0x6b: {  	_ =	shalt  }
0x6c: {  	_ =	shalt  }
0x6d: {  	_ =	shalt  }
0x6e: {  	_ =	shalt  }
0x6f: {  	_ =	shalt  }
0x70: {  	_ =	shalt  }
0x71: {  	_ =	shalt  }
0x72: {  	_ =	shalt  }
0x73: {  	_ =	shalt  }
0x74: {  	_ =	shalt  }
0x75: {  	_ =	shalt  }
0x76: {  	_ =	shalt  }
0x77: {  	_ =	shalt  }
0x78: {  	_ =	shalt  }
0x79: {  	_ =	shalt  }
0x7a: {  	_ =	shalt  }
0x7b: {  	_ =	shalt  }
0x7c: {  	_ =	shalt  }
0x7d: {  	_ =	shalt  }
0x7e: {  	_ =	shalt  }
0x7f: {  	_ =	shalt  }
0x80: {  	_ =	shalt  }
0x81: {  	_ =	shalt  }
0x82: {  	_ =	shalt  }
0x83: {  	_ =	shalt  }
0x84: {  	_ =	shalt  }
0x85: {  	_ =	shalt  }
0x86: {  	_ =	shalt  }
0x87: {  	_ =	shalt  }
.Lfunc_end0:
.L_simem_size_0:
called_computation_lowered:
.L_overlay_start_0:
0x88: {  	s0 =	sld [smem:$0x3FD9]  }
0x89: {  	s1 =	sld [smem:$0x3FFE];
	_ =	sdelay $0x3  }
0x8a: {  	s0 =	sadd.s32 s1, s0  }
0x8b: {  	[smem:$0x3FC3] =	sst s0  }
0x8c: {  	_ = 	snop  }
0x8d: {  	s0 =	sld [smem:$0x3FD0];
	_ =	sdelay $0x2  }
0x8e: {  	s2 =	simm.s32 $0xB;
	s3 =	simm.s32 $0x90;
	s9 =	sld [smem:$0x3FC9]  }
0x8f: {  	[smem:s3], [sflag:s2] =	dma.local [hbm:s0], $0x1  }
0x90: {  	_ =	swait.eq [sflag:s2], $0x1  }
0x91: {  	[sflag:s2] =	ssyncset.done $0x0;
	s10 =	sld [smem:$0x91]  }
0x92: {  	s12 =	simm.s32 $0x0;
	s11 =	sld [smem:$0x93];
	[sflag:s2] =	ssyncadd.s32 $0xFFFFFFFF  }
0x93: {  	[smem:$0xF] =	sst s12  }
0x94: {  	(tm) =	ssettm $0x1  }
0x95: {  	s13 =	sld [smem:$0x3FFB];
	_ =	sdelay $0x3  }
0x96: {  	_ =	strace s13  }
0x97: {  	s3 =	sld [smem:$0x3FFC];
	_ =	sdelay $0x3  }
0x98: {  	_ =	strace s3  }
0x99: {  	s3 =	sld [smem:$0x3FFD];
	_ =	sdelay $0x3  }
0x9a: {  	_ =	strace s3  }
0x9b: {  	s14 =	simm.s32 $0x1B8B;
	_ =	strace $0x8FFFFFFF  }
0x9c: {  	_ =	swait.ge [sflag:s14], $0x1  }
0x9d: {  	[sflag:s14] =	ssyncset.done $0x0  }
0x9e: {  	s4 =	simm.s32 $0x1B8E;
	[sflag:s14] =	ssyncadd.s32 $0xFFFFFFFF  }
0x9f: {  	s16 =	simm.s32 $0xA;
	[smem:$0x3FD2] =	sst s4  }
0xa0: {  	s5 =	simm.s32 $0x10;
	s15 =	sld [smem:$0x3FFE];
	_ =	strace $0x80000046  }
0xa1: {  	[smem:s5], [sflag:s16] =	dma.local [hbm:s9], $0x10  }
0xa2: {  	_ =	swait.ge [sflag:s16], $0x10  }
0xa3: {  	[sflag:s16] =	ssyncset.done $0x0  }
0xa4: {  	[sflag:s16] =	ssyncadd.s32 $0xFFFFFFF0  }
0xa5: {  	s17 =	sld [smem:$0x10];
	_ =	sdelay $0x3  }
0xa6: {  	s1 =	smul.f32 $1.000000000e+02, s17;
	_ =	sdelay $0x1  }
0xa7: {  	s18 =	scvt.f32.s32 s1;
	_ =	sdelay $0x1  }
0xa8: {  	s19 =	scvt.s32.f32 s18;
	_ =	sdelay $0x1  }
0xa9: {  	p0 =	slt.f32 s1, s19  }
0xaa: {  	s1 =	simm.s32 $0x1  }
0xab: {  	s1 =	simm.s32 @!p0 $0x0  }
0xac: {  	s1 =	ssub.s32 s18, s1  }
0xad: {  	s1 =	sshll.u32 s1, $0x4  }
0xae: {  	s1 =	sand.u32 $0x1FFFFFF0, s1  }
0xaf: {  	s21 =	simm.s32 $0x9;
	s1 =	sadd.s32 s1, s15  }
0xb0: {  	s22 =	sadd.s32 $0x2400, s15;
	s24 =	sadd.s32 $0x2600, s15;
	s20 =	sadd.s32 $0xC00, s1  }
0xb1: {  	s23 =	sadd.s32 $0x1400, s1;
	s25 =	sadd.s32 $0x1C00, s1;
	s26 =	sadd.s32 $0x400, s1  }
0xb2: {  	[hbm:s10], [sflag:s21] =	dma.local [hbm:s20], $0x10  }
0xb3: {  	[hbm:s22], [sflag:s21] =	dma.local [hbm:s23], $0x10  }
0xb4: {  	[hbm:s24], [sflag:s21] =	dma.local [hbm:s25], $0x10  }
0xb5: {  	[hbm:s11], [sflag:s21] =	dma.local [hbm:s26], $0x10  }
0xb6: {  	_ =	swait.ge [sflag:s21], $0x10  }
0xb7: {  	[sflag:s21] =	ssyncset.done $0x0  }
0xb8: {  	[sflag:s21] =	ssyncadd.s32 $0xFFFFFFF0;
	_ =	sdelay $0x2  }
0xb9: {  	_ =	swait.ge [sflag:s21], $0x10  }
0xba: {  	[sflag:s21] =	ssyncset.done $0x0  }
0xbb: {  	[sflag:s21] =	ssyncadd.s32 $0xFFFFFFF0;
	_ =	sdelay $0x2  }
0xbc: {  	_ =	swait.ge [sflag:s21], $0x10  }
0xbd: {  	[sflag:s21] =	ssyncset.done $0x0  }
0xbe: {  	[sflag:s21] =	ssyncadd.s32 $0xFFFFFFF0;
	_ =	sdelay $0x2  }
0xbf: {  	_ =	swait.ge [sflag:s21], $0x10  }
0xc0: {  	[sflag:s21] =	ssyncset.done $0x0  }
0xc1: {  	[sflag:s21] =	ssyncadd.s32 $0xFFFFFFF0  }
0xc2: {  	_ =	strace $0x90000046  }
0xc3: {  	_ =	sfence  }
0xc4: {  	s28 =	sld [smem:$0x0];
	_ =	sdelay $0x1  }
0xc5: {  	s29 =	srdreg.scid  }
0xc6: {  	s30 =	sshll.u32 s29, $0xD;
	s31 =	sshrl.u32 s29, $0x2  }
0xc7: {  	s2 =	sand.u32 $0x4000, s30;
	s1 =	sand.u32 $0x1, s29;
	s0 =	sadd.s32 s31, s28  }
0xc8: {  	s1 =	sor.u32 s2, s1;
	s0 =	sshll.u32 s0, $0x11  }
0xc9: {  	s0 =	sor.u32 s0, s1  }
0xca: {  	s0 =	sadd.s32 $0x8F2B, s0;
	(pc) =	sbr.abs _section_cstart, $3  }
0xcb: {  	[sflag:s0] =	ssyncadd.remote.s32 $0x1  }
0xcc: {  	_ =	strace $0x9FFFFFFF  }
0xcd: {  	(tm) =	ssettm $0x7FFFFFFF  }

</sc_bundles>
